<compile_context>
chip_gen: v7x
topology: tpu7x:2x2x1
jax: 0.10.2.dev20260603
libtpu: 0.0.44.dev20260713+nightly
codegen_flags: <defaults>
</compile_context>

<pallas_src>
import jax
import jax.numpy as jnp
from jax.experimental import pallas as pl

_BLK = 4096


def _onehot_argmax_kernel(x_ref, o_ref):
    x = x_ref[...]
    m = jnp.max(x, axis=1, keepdims=True)
    lane = jax.lax.broadcasted_iota(jnp.int32, x.shape, 1)
    idx = jnp.min(jnp.where(x == m, lane, x.shape[1]), axis=1, keepdims=True)
    o_ref[...] = (lane == idx).astype(jnp.float32)


def kernel(input):
    b, n, k = input.shape
    rows = b * n
    x2 = input.reshape(rows, k)
    out = pl.pallas_call(
        _onehot_argmax_kernel,
        grid=(rows // _BLK,),
        in_specs=[pl.BlockSpec((_BLK, k), lambda i: (i, 0))],
        out_specs=pl.BlockSpec((_BLK, k), lambda i: (i, 0)),
        out_shape=jax.ShapeDtypeStruct((rows, k), jnp.float32),
    )(x2)
    return out.reshape(b, n, k)

# --- scband reference (transcript-rebuilt; emitter-appended) ---
"""Pipeline reference for scband-q-column-max-77163382440735 (READ-ONLY COPY).

The authoritative reference and input builder live on the scoring server;
editing this copy changes nothing except your own understanding.
"""

import jax, jax.numpy as jnp
import numpy as np


def setup_inputs(seed: int = 0) -> dict:
    key = jax.random.key(seed)
    x = jax.random.normal(key, (64, 8192, 32), dtype=jnp.float32)
    return {"input": x}


def reference(input):
    # Round_by_columnMax.forward: one-hot of argmax along dim=2 (scatter 1.0 at argmax idx)
    idx = jnp.argmax(input, axis=2)
    output = jax.nn.one_hot(idx, input.shape[2], dtype=input.dtype)
    return output

if __name__ == "__main__":
    import jax
    _d = setup_inputs()
    print(jax.jit(kernel)(*tuple(_d.values())))

</pallas_src>

<mosaic_0001>
module attributes {stable_mosaic.version = 14 : i64} {
  func.func @_onehot_argmax_kernel(%arg0: i32, %arg1: memref<4096x32xf32, #tpu.memory_space<vmem>>, %arg2: memref<4096x32xf32, #tpu.memory_space<vmem>>) attributes {dimension_semantics = [#tpu.dimension_semantics<arbitrary>], iteration_bounds = array<i64: 128>, scalar_prefetch = 0 : i64, scratch_operands = 0 : i64, tpu.core_type = #tpu.core_type<tc>, window_params = [{transform_indices = @transform_0, window_bounds = array<i64: 4096, 32>}, {transform_indices = @transform_1, window_bounds = array<i64: 4096, 32>}]} {
    %get3A = arith.constant 0 : index
    %get3A_0 = arith.constant 0 : index
    %get3A_1 = vector.load %arg1[%get3A, %get3A_0] : memref<4096x32xf32, #tpu.memory_space<vmem>>, vector<4096x32xf32>
    %reduce_max3A = arith.constant dense<0xFF800000> : vector<4096xf32>
    %reduce_max3A_2 = vector.multi_reduction <maximumf>, %get3A_1, %reduce_max3A [1] : vector<4096x32xf32> to vector<4096xf32>
    %broadcast_in_dim3A = vector.shape_cast %reduce_max3A_2 : vector<4096xf32> to vector<4096x1xf32>
    %iota3A = tpu.iota {dimensions = array<i32: 1>} : vector<4096x32xi32>
    %eq3A = vector.broadcast %broadcast_in_dim3A : vector<4096x1xf32> to vector<4096x32xf32>
    %eq3A_3 = arith.cmpf oeq, %get3A_1, %eq3A : vector<4096x32xf32>
    %jit3A = arith.constant 32 : i32
    %broadcast_in_dim3A_4 = vector.broadcast %jit3A : i32 to vector<4096x32xi32>
    %select_n3A = arith.select %eq3A_3, %iota3A, %broadcast_in_dim3A_4 : vector<4096x32xi1>, vector<4096x32xi32>
    %reduce_min3A = arith.constant dense<2147483647> : vector<4096xi32>
    %reduce_min3A_5 = vector.multi_reduction <minsi>, %select_n3A, %reduce_min3A [1] : vector<4096x32xi32> to vector<4096xi32>
    %broadcast_in_dim3A_6 = vector.shape_cast %reduce_min3A_5 : vector<4096xi32> to vector<4096x1xi32>
    %eq3A_7 = vector.broadcast %broadcast_in_dim3A_6 : vector<4096x1xi32> to vector<4096x32xi32>
    %eq3A_8 = arith.cmpi eq, %iota3A, %eq3A_7 : vector<4096x32xi32>
    %convert_element_type3A = arith.extui %eq3A_8 : vector<4096x32xi1> to vector<4096x32xi32>
    %convert_element_type3A_9 = arith.sitofp %convert_element_type3A : vector<4096x32xi32> to vector<4096x32xf32>
    %swap3A = arith.constant 0 : index
    %swap3A_10 = arith.constant 0 : index
    %swap3A_11 = vector.load %arg2[%swap3A, %swap3A_10] : memref<4096x32xf32, #tpu.memory_space<vmem>>, vector<4096x32xf32>
    tpu.vector_store %arg2[%swap3A, %swap3A_10], %convert_element_type3A_9 {strides = array<i32>} : memref<4096x32xf32, #tpu.memory_space<vmem>>, vector<4096x32xf32>,
    return
  }
  func.func @transform_0(%arg0: i32) -> (i32, i32) {
    %c0_i32 = arith.constant 0 : i32
    %c0_i32_0 = arith.constant 0 : i32
    return %arg0, %c0_i32 : i32, i32
  }
  func.func @transform_1(%arg0: i32) -> (i32, i32) {
    %c0_i32 = arith.constant 0 : i32
    %c0_i32_0 = arith.constant 0 : i32
    return %arg0, %c0_i32 : i32, i32
  }
}

</mosaic_0001>

<sc_bundles>
// kernel: sparse-core-data-format-call.cloned.1.call-start
scs
called_computation_lowered:
.L_overlay_start_0:
0x0: {  	s2 =	sld [smem:$0x3FD9]  }
0x1: {  	s3 =	sld [smem:$0x3FFE];
	_ =	sdelay $0x1  }
0x2: {  	s1 =	srdreg.scid  }
0x3: {  	s0 =	sand.u32 $0x1, s1  }
0x4: {  	s18 =	sshll.u32 s0, $0xA;
	s2 =	sadd.s32 s3, s2  }
0x5: {  	s2 =	sadd.s32 s2, s18  }
0x6: {  	[smem:$0x3FC7] =	sst s2  }
0x7: {  	_ = 	snop  }
0x8: {  	s2 =	sld [smem:$0x3FD0];
	(tm) =	ssettm $0x1  }
0x9: {  	s19 =	sld [smem:$0x3FFB];
	_ =	sdelay $0x3  }
0xa: {  	_ =	strace s19  }
0xb: {  	s3 =	sld [smem:$0x3FFC];
	_ =	sdelay $0x3  }
0xc: {  	_ =	strace s3  }
0xd: {  	s3 =	sld [smem:$0x3FFD];
	_ =	sdelay $0x3  }
0xe: {  	_ =	strace s3  }
0xf: {  	_ =	strace $0x8FFFFFFF  }
0x10: {  	s20 =	sld [smem:$0x3FDB];
	_ =	sdelay $0x1  }
0x11: {  	s4 =	simm.s32 $_scs_section_size  }
0x12: {  	s5 =	simm.s32 $_size__tile_overlayer_lowered;
	s6 =	simm.s32 $_tile_overlayer_lowered  }
0x13: {  	s23 =	simm.s32 $0x1BFF;
	s22 =	sshll.u32 s6, $0x1;
	s3 =	sadd.s32 s4, s20  }
0x14: {  	s7 =	simm.s32 $0x0;
	s21 =	sshll.u32 s5, $0x1;
	s5 =	sadd.s32 s22, s3  }
0x15: {  	[timem:s7], [sflag:s23] =	dma.local [hbm:s5], s21  }
0x16: {  	_ =	swait.ge [sflag:s23], s21  }
0x17: {  	s4 =	ssub.s32 $0x0, s21;
	[sflag:s23] =	ssyncset.done $0x0  }
0x18: {  	[sflag:s23] =	ssyncadd.s32 s4;
	_ =	sdelay $0x1  }
0x19: {  	s24 =	simm.s32 $0x1B8B  }
0x1a: {  	_ =	swait.ge [sflag:s24], $0x1  }
0x1b: {  	[sflag:s24] =	ssyncset.done $0x0  }
0x1c: {  	s26 =	simm.s32 $0x1B8E;
	s25 =	sld [smem:$0x3FFE];
	[sflag:s24] =	ssyncadd.s32 $0xFFFFFFFF  }
0x1d: {  	s27 =	simm.s32 $execute0_lowered;
	[smem:$0x3FD2] =	sst s26  }
0x1e: {  	s5 =	sshll.u32 s27, $0x1;
	_ =	strace $0x80000046;
	[dreg:$0x1] =	wrdreg $0xFFFFFFFF  }
0x1f: {  	s28 =	simm.s32 $_size_execute0_lowered;
	s3 =	sadd.s32 s3, s5;
	[dreg:$0x0] =	wrdreg $0x0  }
0x20: {  	s5 =	sshll.u32 s28, $0x1;
	[dreg:$0x2] =	wrdreg s3  }
0x21: {  	[dreg:$0x3] =	wrdreg s5  }
0x22: {  	[dreg:$0x4] =	wrdreg $0xC0  }
0x23: {  	_ =	task [dreg:s7], $0x5FFFF  }
0x24: {  	[dreg:$0x1] =	wrdreg $0xFFFFFFFF  }
0x25: {  	[dreg:$0x0] =	wrdreg $0x60  }
0x26: {  	[dreg:$0x2] =	wrdreg s25  }
0x27: {  	[dreg:$0x3] =	wrdreg s2  }
0x28: {  	[dreg:$0x4] =	wrdreg $0x9  }
0x29: {  	_ =	task.clear_ibuf [dreg:s7], $0x5FFFF;
	_ =	strace $0x90000046  }
0x2a: {  	s29 =	simm.s32 $0x9;
	_ =	strace $0x80000048  }
0x2b: {  	_ =	swait.ge [sflag:s29], $0x1  }
0x2c: {  	[sflag:s29] =	ssyncadd.s32 $0xFFFFFFFF  }
0x2d: {  	_ =	strace $0x90000048  }
0x2e: {  	_ =	sfence  }
0x2f: {  	s30 =	sld [smem:$0x0];
	_ =	sdelay $0x2  }
0x30: {  	s31 =	sshll.u32 s1, $0xD;
	s1 =	sshrl.u32 s1, $0x2  }
0x31: {  	s3 =	sand.u32 $0x4000, s31;
	s1 =	sadd.s32 s1, s30  }
0x32: {  	s0 =	sor.u32 s3, s0;
	s1 =	sshll.u32 s1, $0x11  }
0x33: {  	s0 =	sor.u32 s1, s0  }
0x34: {  	s0 =	sadd.s32 $0x8F2B, s0  }
0x35: {  	[sflag:s0] =	ssyncadd.remote.s32 $0x1  }
0x36: {  	_ =	sfence.sel $0xFFFF  }
0x37: {  	[dreg:$0x0] =	wrdreg $0xFFFFFFFF;
	(pc) =	sbr.abs _section_cstart, $3  }
0x38: {  	[dreg:$0x1] =	wrdreg $0xFFFFFFFF  }
0x39: {  	_ =	task.clear_ibuf [dreg:s7], $0x2FFFF;
	_ =	strace $0x9FFFFFFF  }
0x3a: {  	(tm) =	ssettm $0x7FFFFFFF  }
0x3b: {  	_ =	shalt  }
tec
execute0_lowered:
.L_overlay_start_1:
0x0: {  	(tag) =	ssettag $0x1  }
0x1: {  	s10 =	rddreg [dreg:$0x0]  }
0x2: {  	s2 =	rddreg [dreg:$0x1]  }
0x3: {  	s0 =	rddreg [dreg:$0x2]  }
0x4: {  	_ =	strace $0x80000047;
	s1 =	stileid.u32;
	s5 =	srdreg.scid  }
0x5: {  	s6 =	simm.s32 $0x1;
	s31 =	simm.s32 $0x2;
	s16 =	simm.s32 $0x0  }
0x6: {  	s12 =	simm.s32 $0x10000;
	s17 =	simm.s32 $0x0;
	s4 =	sshll.u32 s1, $0x2  }
0x7: {  	s15 =	simm.s32 $0x0;
	s5 =	sshll.u32 s5, $0x7;
	s7 =	ssub.s32 $0x40, s4  }
0x8: {  	s5 =	sand.u32 $0x80, s5;
	s8 =	sshrl.u32 s7, $0x6;
	s7 =	sand.u32 $0x3C, s7  }
0x9: {  	s3 =	sadd.s32 $0x800400, s10;
	s9 =	ssub.s32 $0x2000, s5;
	p0 =	sne.s32 s7, $0x0  }
0xa: {  	s7 =	simm.s32 $0x1;
	s11 =	sshrl.u32 s9, $0x7;
	s9 =	sshrl.u32 s9, $0x8  }
.Ltmp0:
0xb: {  	s7 =	simm.s32 @!p0 $0x0;
	s11 =	sand.u32 $0x1, s11;
	(pc) =	sbr.rel .LBB1_1-.Ltmp0, $4  }
0xc: {  	[sflag:s6] =	ssyncpa.u1 $0x0;
	s7 =	sadd.s32 s7, s8;
	s30 =	sadd.s32 s9, s11  }
0xd: {  	[sflag:s31] =	ssyncpa.u1 $0x0;
	s14 =	smov.u32 s4;
	s7 =	smul.u32 s7, s30  }
0xe: {  	s13 =	smov.u32 s5;
	p0 =	por $0x0, $0x0;
	s8 =	sadd.s32 $0x820400, s10  }
0xf: {  	s9 =	sadd.s32 $0x840400, s10;
	s10 =	sadd.s32 $0x860400, s10;
	s11 =	sadd.s32 $0x1, s7  }
.LBB1_7:
0x10: {  	s18 =	sadd.s32 $0x100, s13  }
0x11: {  	s16 =	sadd.s32 $0x40, s14;
	s20 =	smov.u32 s14;
	p2 =	sgt.s32 s18, $0x1FFF  }
0x12: {  	s20 =	smov.u32 @p2 s16  }
0x13: {  	s18 =	smov.u32 @p2 s5;
	p2 =	sgt.s32 s20, $0x3F  }
0x14: {  	s20 =	smov.u32 @p2 s4;
	p2 =	sne.s32 s15, s11  }
.Ltmp1:
0x15: {  	p1 =	slt.u32 s15, $0x2;
	(pc) =	sbr.rel @!p2 .LBB1_8-.Ltmp1, $4  }
0x16: {  	s19 =	simm.s32 @!p1 $0x2  }
0x17: {  	s17 =	smov.u32 s14;
	p0 =	por !p0, !p0;
	_ =	swait.ge @!p1 [sflag:s19], $0x4000  }
0x18: {  	s16 =	smov.u32 s13;
	[sflag:s19] =	ssyncset.done @!p1 $0x0;
	s13 =	smov.u32 s18  }
0x19: {  	s15 =	sadd.s32 $0x1, s15;
	[sflag:s19] =	ssyncadd.s32 @!p1 $0xFFFFC000;
	s14 =	smov.u32 s20  }
.LBB1_1:
0x1a: {  	p1 =	sge.u32 s15, s7  }
0x1b: {  	s18 =	sxor.u32 @!p1 $0xFFFFFFFF, s15  }
0x1c: {  	s19 =	sshll.u32 @!p1 s14, $0x11;
	s20 =	sshll.u32 @!p1 s13, $0x4;
	s22 =	simm.s32 @!p1 $0x20  }
0x1d: {  	s18 =	sshll.u32 @!p1 s18, $0xE;
	s20 =	sand.u32 @!p1 $0x1FFF0, s20;
	s21 =	sadd.s32 @!p1 s3, s19  }
0x1e: {  	s23 =	simm.s32 @!p1 $0x80;
	s18 =	sand.u32 @!p1 $0x4000, s18;
	s21 =	sadd.s32 @!p1 s20, s21  }
0x1f: {  	[tilespmem:s18], [sflag:$0x1] =	stream.strided.gather @!p1 [hbm4b:s21+s22], $0x1000, s23, s22, $0x38;
	[tilespmem:$0x10100] =	vst v63  }
0x20: {  	s21 =	sadd.s32 @!p1 s19, s8  }
0x21: {  	s24 =	sor.u32 @!p1 $0x1000, s18;
	s21 =	sadd.s32 @!p1 s20, s21  }
0x22: {  	[tilespmem:s24], [sflag:$0x1] =	stream.strided.gather @!p1 [hbm4b:s21+s22], $0x1000, s23, s22, $0x38;
	[tilespmem:$0x10100] =	vst v63  }
0x23: {  	s21 =	sadd.s32 @!p1 s19, s9  }
0x24: {  	s24 =	sor.u32 @!p1 $0x2000, s18;
	s19 =	sadd.s32 @!p1 s19, s10;
	s21 =	sadd.s32 @!p1 s20, s21  }
0x25: {  	[tilespmem:s24], [sflag:$0x1] =	stream.strided.gather @!p1 [hbm4b:s21+s22], $0x1000, s23, s22, $0x38;
	[tilespmem:$0x10100] =	vst v63  }
0x26: {  	s31 =	sadd.s32 $0xFFFFFFFF, s15;
	s18 =	sor.u32 @!p1 $0x3000, s18;
	s19 =	sadd.s32 @!p1 s20, s19  }
0x27: {  	[tilespmem:s18], [sflag:$0x1] =	stream.strided.gather @!p1 [hbm4b:s19+s22], $0x1000, s23, s22, $0x38;
	[tilespmem:$0x10100] =	vst v63  }
0x28: {  	p1 =	sge.u32 s31, s7  }
.Ltmp2:
0x29: {  	_ = 	snop;
	(pc) =	sbr.rel @p1 .LBB1_7-.Ltmp2, $1  }
0x2a: {  	_ =	sdelay $0x3  }
0x2b: {  	s18 =	simm.s32 $0x1;
	s20 =	sand.u32 $0x1, s15  }
0x2c: {  	_ =	swait.ge [sflag:s6], $0x4000;
	s18 =	simm.s32 @!p0 $0x0;
	s21 =	smul.u32 $0x10200, s20  }
0x2d: {  	[sflag:s6] =	ssyncset.done $0x0;
	s19 =	smul.u32 $0x10200, s18  }
0x2e: {  	s18 =	sshll.u32 s18, $0xE;
	[sflag:s6] =	ssyncadd.s32 $0xFFFFC000  }
0x2f: {  	s20 =	sor.u32 $0x10, s18;
	s31 =	sshrl.u32 s21, $0x2;
	s19 =	sshrl.u32 s19, $0x2  }
0x30: {  	s21 =	simm.s32 $0x0;
	s18 =	sor.u32 $0x8000, s31;
	s19 =	sor.u32 $0x8000, s19  }
.LBB1_3:
0x31: {  	v1 =	vld [tilespmem:s20+$0x0]  }
0x32: {  	v0 =	vld [tilespmem:s20+$0xFFFFFFF0];
	_ =	sdelay $0x2  }
0x33: {  	s24 =	sadd.s32 $0x0, s19  }
0x34: {  	s22 =	simm.s32 $0x4;
	s23 =	sadd.s32 $0x20, s20;
	[tilespmem:s24+$0x810 ss:$0x81] =	vst.msk $0xffff, v1  }
.LBB1_4:
0x35: {  	v1 =	vld [tilespmem:s23+$0x0];
	p1 =	sne.s32 s22, $0x1FC;
	[tilespmem:s24+$0x0 ss:$0x81] =	vst.msk $0xffff, v0;
	s24 =	smov.u32 s22;
	s22 =	sadd.s32 $0x4, s22  }
.Ltmp3:
0x36: {  	v0 =	vld [tilespmem:s23+$0xFFFFFFF0];
	(pc) =	sbr.rel @p1 .LBB1_4-.Ltmp3, $4  }
0x37: {  	_ = 	snop  }
0x38: {  	s24 =	sshra.s32 s24, $0x2  }
0x39: {  	s24 =	sadd.s32 s24, s19  }
0x3a: {  	s23 =	sadd.s32 $0x20, s23;
	[tilespmem:s24+$0x810 ss:$0x81] =	vst.msk $0xffff, v1  }
0x3b: {  	s21 =	sadd.s32 $0x1, s21  }
0x3c: {  	p1 =	sne.s32 s21, $0x4  }
.Ltmp4:
0x3d: {  	_ = 	snop;
	(pc) =	sbr.rel @p1 .LBB1_3-.Ltmp4, $2  }
0x3e: {  	_ =	sdelay $0x2  }
0x3f: {  	[tilespmem:s24+$0x0 ss:$0x81] =	vst.msk $0xffff, v0;
	s19 =	sadd.s32 $0x1020, s19;
	s20 =	sadd.s32 $0x1000, s20  }
0x40: {  	s19 =	sshll.u32 s16, $0x3;
	s20 =	sand.u32 $0x78, s16;
	s17 =	sshll.u32 s17, $0xF  }
.Ltmp5:
0x41: {  	s30 =	sand.u32 $0x7C00, s16;
	s19 =	sand.u32 $0x1C00, s19;
	(pc) =	sbr.rel .LBB1_7-.Ltmp5, $4  }
0x42: {  	s31 =	sand.u32 $0x7, s16;
	s17 =	sadd.s32 s2, s17;
	s19 =	sor.u32 s20, s19  }
0x43: {  	s16 =	sshll.u32 s31, $0x12;
	s17 =	sadd.s32 s30, s17;
	s19 =	sshrl.u32 s19, $0x3  }
0x44: {  	s16 =	sor.u32 $0x400, s16;
	s17 =	sadd.s32 s19, s17  }
0x45: {  	[hbm4b:s17+s16] =	stream.strided.scatter [tilespmem:s18], [sflag:$0x2], $0x4000, s12, s16, $0x20;
	[tilespmem:$0x10100] =	vst v63  }
.LBB1_8:
0x46: {  	_ =	sfence.sel $0x180000  }
0x47: {  	s2 =	simm.s32 $0x1;
	[bflag:$0x0] =	sbarrier.arrive $0xFFFF  }
0x48: {  	s31 =	simm.s32 $0x2;
	[sflag:s2] =	ssyncpa.u1 $0x1  }
0x49: {  	[sflag:s31] =	ssyncpa.u1 $0x1  }
0x4a: {  	p0 =	sne.s32 s1, $0x0;
	_ =	strace $0x90000047  }
0x4b: {  	s0 =	sadd.s32 @!p0 $0x100000, s0;
	[bflag:$0x2] =	sbarrier.arrive $0xFFFF  }
0x4c: {  	[sflag:s0] =	ssyncadd.tile.s32 @!p0 $0x1;
	_ =	shalt  }
.Lfunc_end1:
_tile_overlayer_lowered:
.L_overlay_start_2:
0x4d: {  	(tag) =	ssettag $0x2  }
0x4e: {  	s0 =	rddreg [dreg:$0x0];
	s2 =	stileid.u32  }
0x4f: {  	s1 =	rddreg [dreg:$0x1];
	p0 =	sne.s32 s2, $0x0  }
0x50: {  	s3 =	rddreg [dreg:$0x2];
	[bflag:$0x3] =	sbarrier.arrive $0xFFFF;
	s2 =	simm.s32 @!p0 $0x1C01  }
0x51: {  	[timem:s3], [sflag:s2] =	dma.local @!p0 [hbm:s0], s1  }
0x52: {  	s0 =	simm.s32 @!p0 $0x1  }
0x53: {  	_ =	swait.ge @!p0 [sflag:s0], s1  }
0x54: {  	s1 =	ssub.s32 @!p0 $0x0, s1;
	[sflag:s0] =	ssyncset.done @!p0 $0x0  }
0x55: {  	[sflag:s0] =	ssyncadd.s32 @!p0 s1  }
0x56: {  	[bflag:$0x3] =	sbarrier.arrive $0xFFFF  }
0x57: {  	_ =	shalt  }

</sc_bundles>
